<compile_context>
chip_gen: v7x
topology: tpu7x:2x2x1
jax: 0.10.2.dev20260603
libtpu: 0.0.44.dev20260713+nightly
codegen_flags: <defaults>
</compile_context>

<pallas_src>
import functools

import jax
import jax.numpy as jnp
from jax import lax
from jax.experimental import pallas as pl
from jax.experimental.pallas import tpu as pltpu
from jax.experimental.pallas import tpu_sc as plsc

N_NODES = 10000
N_EDGES = 320000
D = 128

NC = 2
NS = 16
NW = NC * NS
CHUNK = 128
NCHUNK = 80
HALF = NCHUNK // 2
EPW = NCHUNK * CHUNK
E_PAD = NW * EPW
N_PAD = 10240
RPS = N_PAD // NS

def _sc_agg_body(src_hbm, dst_hbm, x_hbm, zeros_hbm, out_hbm,
                 src_v, dst_v, rows_a, agg_sh, sem_a):
    c = lax.axis_index("c")
    s = lax.axis_index("s")
    wid = c * NS + s
    pltpu.sync_copy(src_hbm.at[wid], src_v)
    pltpu.sync_copy(dst_hbm.at[wid], dst_v)
    pltpu.sync_copy(zeros_hbm.at[pl.ds(s * RPS, RPS)],
                    agg_sh.at[pl.ds(s * RPS, RPS)])
    plsc.subcore_barrier()

    def body(r, carry):
        pltpu.async_copy(x_hbm.at[src_v.at[r]], rows_a, sem_a).wait()
        pltpu.sync_copy(rows_a, agg_sh.at[dst_v.at[r]], add=True)
        return carry

    lax.fori_loop(0, NCHUNK, body, 0)
    plsc.subcore_barrier()
    pltpu.sync_copy(agg_sh.at[pl.ds(s * RPS, RPS)],
                    out_hbm.at[c].at[pl.ds(s * RPS, RPS)])


@functools.cache
def _sc_agg():
    mesh = plsc.VectorSubcoreMesh(core_axis_name="c", subcore_axis_name="s",
                                  num_cores=NC, num_subcores=NS)
    return pl.kernel(
        _sc_agg_body,
        out_type=jax.ShapeDtypeStruct((NC, N_PAD, D), jnp.float32),
        mesh=mesh,
        scratch_types=[
            pltpu.VMEM((NCHUNK, CHUNK), jnp.int32),
            pltpu.VMEM((NCHUNK, CHUNK), jnp.int32),
            pltpu.VMEM((CHUNK, D), jnp.float32),
            pltpu.VMEM_SHARED((N_PAD, D), jnp.float32),
            pltpu.SemaphoreType.DMA,
        ],
    )


def _tc_mlp_body(eps_ref, x_ref, p0_ref, p1_ref,
                 W1_ref, b1_ref, W2_ref, b2_ref,
                 W3_ref, b3_ref, W4_ref, b4_ref, o_ref):
    h = (1.0 + eps_ref[0]) * x_ref[...] + p0_ref[...] + p1_ref[...]
    h = jnp.dot(h, W1_ref[...], preferred_element_type=jnp.float32)
    h = jnp.maximum(h + b1_ref[...], 0.0)
    h = jnp.dot(h, W2_ref[...], preferred_element_type=jnp.float32) + b2_ref[...]
    h = jnp.dot(h, W3_ref[...], preferred_element_type=jnp.float32)
    h = jnp.maximum(h + b3_ref[...], 0.0)
    h = jnp.dot(h, W4_ref[...], preferred_element_type=jnp.float32) + b4_ref[...]
    o_ref[...] = jax.nn.sigmoid(h)


BLK = 1000


def _tc_mlp(eps, x, p0, p1, W1, b1, W2, b2, W3, b3, W4, b4):
    wspec = pl.BlockSpec((D, D), lambda i: (0, 0))
    bspec = pl.BlockSpec((1, D), lambda i: (0, 0))
    rspec = pl.BlockSpec((BLK, D), lambda i: (i, 0))
    return pl.pallas_call(
        _tc_mlp_body,
        grid=(N_NODES // BLK,),
        in_specs=[
            pl.BlockSpec(memory_space=pltpu.SMEM),
            rspec, rspec, rspec,
            wspec, bspec, wspec, bspec,
            wspec, bspec, wspec, bspec,
        ],
        out_specs=rspec,
        out_shape=jax.ShapeDtypeStruct((N_NODES, D), jnp.float32),
    )(eps, x, p0, p1, W1, b1, W2, b2, W3, b3, W4, b4)


def kernel(x, edge_index, eps, W1, b1, W2, b2, W3, b3, W4, b4):
    npad = E_PAD - N_EDGES
    src = jnp.concatenate(
        [edge_index[0].astype(jnp.int32), jnp.zeros((npad,), jnp.int32)])
    pad_dst = N_NODES + (jnp.arange(npad, dtype=jnp.int32)
                         % (N_PAD - N_NODES))
    dst = jnp.concatenate([edge_index[1].astype(jnp.int32), pad_dst])
    src = src.reshape(NW, NCHUNK, CHUNK)
    dst = dst.reshape(NW, NCHUNK, CHUNK)
    zeros = jnp.zeros((N_PAD, D), jnp.float32)
    parts = _sc_agg()(src, dst, x, zeros)
    eps1 = jnp.reshape(eps, (1,)).astype(jnp.float32)
    return _tc_mlp(eps1, x, parts[0, :N_NODES], parts[1, :N_NODES],
                   W1, b1.reshape(1, D), W2, b2.reshape(1, D),
                   W3, b3.reshape(1, D), W4, b4.reshape(1, D))

# --- scband reference (transcript-rebuilt; emitter-appended) ---
"""Pipeline reference for scband-ginnet-7052336300584 (READ-ONLY COPY).

The authoritative reference and input builder live on the scoring server;
editing this copy changes nothing except your own understanding.
"""

import jax, jax.numpy as jnp
import numpy as np

N_NODES = 10000
N_EDGES = 320000
D = 128
HID = 128
OUT = 128


def setup_inputs(seed: int = 0) -> dict:
    key = jax.random.key(seed)
    ks = jax.random.split(key, 12)
    x = jax.random.normal(ks[0], (N_NODES, D), dtype=jnp.float32)
    edge_index = jax.random.randint(ks[1], (2, N_EDGES), 0, N_NODES, dtype=jnp.int64)
    s = 1.0 / np.sqrt(D)
    sh = 1.0 / np.sqrt(HID)
    # GINConv inner MLP: Linear(D->HID), ReLU, Linear(HID->D)
    W1 = jax.random.normal(ks[2], (D, HID), dtype=jnp.float32) * s
    b1 = jnp.zeros((HID,), dtype=jnp.float32)
    W2 = jax.random.normal(ks[3], (HID, D), dtype=jnp.float32) * sh
    b2 = jnp.zeros((D,), dtype=jnp.float32)
    # outer MLP (num_layers=2): Linear(D->HID), ReLU, Linear(HID->OUT)
    W3 = jax.random.normal(ks[4], (D, HID), dtype=jnp.float32) * s
    b3 = jnp.zeros((HID,), dtype=jnp.float32)
    W4 = jax.random.normal(ks[5], (HID, OUT), dtype=jnp.float32) * sh
    b4 = jnp.zeros((OUT,), dtype=jnp.float32)
    eps = jnp.zeros((), dtype=jnp.float32)  # train_eps=True, init 0
    return {"x": x, "edge_index": edge_index, "eps": eps,
            "W1": W1, "b1": b1, "W2": W2, "b2": b2,
            "W3": W3, "b3": b3, "W4": W4, "b4": b4}


def reference(x, edge_index, eps, W1, b1, W2, b2, W3, b3, W4, b4):
    src = edge_index[0]
    dst = edge_index[1]
    # GIN aggregation: sum of source-node features into destination nodes
    msg = jnp.take(x, src, axis=0)                       # gather [E, D]
    agg = jax.ops.segment_sum(msg, dst, num_segments=N_NODES)  # scatter-add [N, D]
    h = (1.0 + eps) * x + agg
    # inner MLP
    h = jax.nn.relu(h @ W1 + b1) @ W2 + b2
    # outer MLP + sigmoid
    out = jax.nn.relu(h @ W3 + b3) @ W4 + b4
    return jax.nn.sigmoid(out)

if __name__ == "__main__":
    import jax
    _d = setup_inputs()
    print(jax.jit(kernel)(*tuple(_d.values())))

</pallas_src>

<mosaic_0001>
#map = affine_map<(d0, d1) -> (0, 0, 0)>
#map1 = affine_map<(d0, d1) -> (0, 0)>
module attributes {stable_mosaic.version = 14 : i64} {
  func.func @_sc_agg_body(%arg0: i32, %arg1: i32, %arg2: memref<32x80x128xi32, #tpu.memory_space<hbm>>, %arg3: memref<32x80x128xi32, #tpu.memory_space<hbm>>, %arg4: memref<10000x128xf32, #tpu.memory_space<hbm>>, %arg5: memref<10240x128xf32, #tpu.memory_space<hbm>>, %arg6: memref<2x10240x128xf32, #tpu.memory_space<hbm>>, %arg7: memref<80x128xi32, #tpu.memory_space<vmem>>, %arg8: memref<80x128xi32, #tpu.memory_space<vmem>>, %arg9: memref<128x128xf32, #tpu.memory_space<vmem>>, %arg10: memref<10240x128xf32, #tpu.memory_space<vmem_shared>>, %arg11: memref<!tpu.dma_semaphore, #tpu.memory_space<semaphore_mem>>) attributes {dimension_semantics = [#tpu.dimension_semantics<core_parallel>, #tpu.dimension_semantics<subcore_parallel>], iteration_bounds = array<i64: 2, 16>, scalar_prefetch = 0 : i64, scratch_operands = 5 : i64, tpu.core_type = #tpu.core_type<sc_vector_subcore>, window_params = [{transform_indices = #map}, {transform_indices = #map}, {transform_indices = #map1}, {transform_indices = #map1}, {transform_indices = #map}]} {
    %mul3A = arith.constant 16 : i32
    %mul3A_0 = arith.muli %arg0, %mul3A : i32
    %add3A = arith.addi %mul3A_0, %arg1 : i32
    "tpu.region"() ({
      %run_scoped3A = tpu.sem_alloc : memref<!tpu.dma_semaphore, #tpu.memory_space<semaphore_mem>>
      %dma_start3A = arith.constant 0 : i32
      %dma_start3A_15 = arith.constant 0 : i32
      %dma_start3A_16 = tpu.memref_slice %arg2[%add3A, %dma_start3A, %dma_start3A_15] : memref<32x80x128xi32, #tpu.memory_space<hbm>> -> memref<1x80x128xi32, #tpu.memory_space<hbm>>
      %dma_start3A_17 = tpu.memref_squeeze %dma_start3A_16 : memref<1x80x128xi32, #tpu.memory_space<hbm>> -> memref<80x128xi32, #tpu.memory_space<hbm>>
      %dma_start3A_18 = arith.constant 0 : i32
      %dma_start3A_19 = arith.constant 0 : i32
      %dma_start3A_20 = tpu.memref_slice %arg2[%add3A, %dma_start3A_18, %dma_start3A_19] : memref<32x80x128xi32, #tpu.memory_space<hbm>> -> memref<1x80x128xi32, #tpu.memory_space<hbm>>
      %dma_start3A_21 = tpu.memref_squeeze %dma_start3A_20 : memref<1x80x128xi32, #tpu.memory_space<hbm>> -> memref<80x128xi32, #tpu.memory_space<hbm>>
      tpu.enqueue_dma source(%dma_start3A_21 : memref<80x128xi32, #tpu.memory_space<hbm>>) target(%arg7 : memref<80x128xi32, #tpu.memory_space<vmem>>) target_semaphore(%run_scoped3A : memref<!tpu.dma_semaphore, #tpu.memory_space<semaphore_mem>>)
      %dma_wait3A = arith.constant 0 : i32
      %dma_wait3A_22 = arith.constant 0 : i32
      %dma_wait3A_23 = tpu.memref_slice %arg2[%add3A, %dma_wait3A, %dma_wait3A_22] : memref<32x80x128xi32, #tpu.memory_space<hbm>> -> memref<1x80x128xi32, #tpu.memory_space<hbm>>
      %dma_wait3A_24 = tpu.memref_squeeze %dma_wait3A_23 : memref<1x80x128xi32, #tpu.memory_space<hbm>> -> memref<80x128xi32, #tpu.memory_space<hbm>>
      %dma_wait3A_25 = arith.constant 0 : i32
      %dma_wait3A_26 = arith.constant 0 : i32
      %dma_wait3A_27 = tpu.memref_slice %arg2[%add3A, %dma_wait3A_25, %dma_wait3A_26] : memref<32x80x128xi32, #tpu.memory_space<hbm>> -> memref<1x80x128xi32, #tpu.memory_space<hbm>>
      %dma_wait3A_28 = tpu.memref_squeeze %dma_wait3A_27 : memref<1x80x128xi32, #tpu.memory_space<hbm>> -> memref<80x128xi32, #tpu.memory_space<hbm>>
      tpu.wait_dma2 semaphore(%run_scoped3A : memref<!tpu.dma_semaphore, #tpu.memory_space<semaphore_mem>>) src(%dma_wait3A_28 : memref<80x128xi32, #tpu.memory_space<hbm>>) dst(%arg7 : memref<80x128xi32, #tpu.memory_space<vmem>>)
      tpu.yield
    }) : () -> ()
    "tpu.region"() ({
      %run_scoped3A = tpu.sem_alloc : memref<!tpu.dma_semaphore, #tpu.memory_space<semaphore_mem>>
      %dma_start3A = arith.constant 0 : i32
      %dma_start3A_15 = arith.constant 0 : i32
      %dma_start3A_16 = tpu.memref_slice %arg3[%add3A, %dma_start3A, %dma_start3A_15] : memref<32x80x128xi32, #tpu.memory_space<hbm>> -> memref<1x80x128xi32, #tpu.memory_space<hbm>>
      %dma_start3A_17 = tpu.memref_squeeze %dma_start3A_16 : memref<1x80x128xi32, #tpu.memory_space<hbm>> -> memref<80x128xi32, #tpu.memory_space<hbm>>
      %dma_start3A_18 = arith.constant 0 : i32
      %dma_start3A_19 = arith.constant 0 : i32
      %dma_start3A_20 = tpu.memref_slice %arg3[%add3A, %dma_start3A_18, %dma_start3A_19] : memref<32x80x128xi32, #tpu.memory_space<hbm>> -> memref<1x80x128xi32, #tpu.memory_space<hbm>>
      %dma_start3A_21 = tpu.memref_squeeze %dma_start3A_20 : memref<1x80x128xi32, #tpu.memory_space<hbm>> -> memref<80x128xi32, #tpu.memory_space<hbm>>
      tpu.enqueue_dma source(%dma_start3A_21 : memref<80x128xi32, #tpu.memory_space<hbm>>) target(%arg8 : memref<80x128xi32, #tpu.memory_space<vmem>>) target_semaphore(%run_scoped3A : memref<!tpu.dma_semaphore, #tpu.memory_space<semaphore_mem>>)
      %dma_wait3A = arith.constant 0 : i32
      %dma_wait3A_22 = arith.constant 0 : i32
      %dma_wait3A_23 = tpu.memref_slice %arg3[%add3A, %dma_wait3A, %dma_wait3A_22] : memref<32x80x128xi32, #tpu.memory_space<hbm>> -> memref<1x80x128xi32, #tpu.memory_space<hbm>>
      %dma_wait3A_24 = tpu.memref_squeeze %dma_wait3A_23 : memref<1x80x128xi32, #tpu.memory_space<hbm>> -> memref<80x128xi32, #tpu.memory_space<hbm>>
      %dma_wait3A_25 = arith.constant 0 : i32
      %dma_wait3A_26 = arith.constant 0 : i32
      %dma_wait3A_27 = tpu.memref_slice %arg3[%add3A, %dma_wait3A_25, %dma_wait3A_26] : memref<32x80x128xi32, #tpu.memory_space<hbm>> -> memref<1x80x128xi32, #tpu.memory_space<hbm>>
      %dma_wait3A_28 = tpu.memref_squeeze %dma_wait3A_27 : memref<1x80x128xi32, #tpu.memory_space<hbm>> -> memref<80x128xi32, #tpu.memory_space<hbm>>
      tpu.wait_dma2 semaphore(%run_scoped3A : memref<!tpu.dma_semaphore, #tpu.memory_space<semaphore_mem>>) src(%dma_wait3A_28 : memref<80x128xi32, #tpu.memory_space<hbm>>) dst(%arg8 : memref<80x128xi32, #tpu.memory_space<vmem>>)
      tpu.yield
    }) : () -> ()
    %mul3A_1 = arith.constant 640 : i32
    %mul3A_2 = arith.muli %arg1, %mul3A_1 : i32
    %mul3A_3 = arith.constant 640 : i32
    %mul3A_4 = arith.muli %arg1, %mul3A_3 : i32
    "tpu.region"() ({
      %run_scoped3A = tpu.sem_alloc : memref<!tpu.dma_semaphore, #tpu.memory_space<semaphore_mem>>
      %dma_start3A = arith.constant 0 : i32
      %dma_start3A_15 = tpu.memref_slice %arg10[%mul3A_4, %dma_start3A] : memref<10240x128xf32, #tpu.memory_space<vmem_shared>> -> memref<640x128xf32, #tpu.memory_space<vmem_shared>>
      %dma_start3A_16 = arith.constant 0 : i32
      %dma_start3A_17 = tpu.memref_slice %arg5[%mul3A_2, %dma_start3A_16] : memref<10240x128xf32, #tpu.memory_space<hbm>> -> memref<640x128xf32, #tpu.memory_space<hbm>>
      tpu.enqueue_dma source(%dma_start3A_17 : memref<640x128xf32, #tpu.memory_space<hbm>>) target(%dma_start3A_15 : memref<640x128xf32, #tpu.memory_space<vmem_shared>>) target_semaphore(%run_scoped3A : memref<!tpu.dma_semaphore, #tpu.memory_space<semaphore_mem>>)
      %dma_wait3A = arith.constant 0 : i32
      %dma_wait3A_18 = tpu.memref_slice %arg10[%mul3A_4, %dma_wait3A] : memref<10240x128xf32, #tpu.memory_space<vmem_shared>> -> memref<640x128xf32, #tpu.memory_space<vmem_shared>>
      %dma_wait3A_19 = arith.constant 0 : i32
      %dma_wait3A_20 = tpu.memref_slice %arg5[%mul3A_2, %dma_wait3A_19] : memref<10240x128xf32, #tpu.memory_space<hbm>> -> memref<640x128xf32, #tpu.memory_space<hbm>>
      tpu.wait_dma2 semaphore(%run_scoped3A : memref<!tpu.dma_semaphore, #tpu.memory_space<semaphore_mem>>) src(%dma_wait3A_20 : memref<640x128xf32, #tpu.memory_space<hbm>>) dst(%dma_wait3A_18 : memref<640x128xf32, #tpu.memory_space<vmem_shared>>)
      tpu.yield
    }) : () -> ()
    %barrier3A = arith.constant 0 : index
    tpu.barrier barrier_id(%barrier3A)
    %scan3A = arith.constant 0 : i32
    %scan3A_5 = arith.constant 0 : i32
    %scan3A_6 = arith.constant 80 : i32
    %scan3A_7 = arith.addi %scan3A_5, %scan3A_6 : i32
    %scan3A_8 = arith.constant 1 : i32
    scf.for %scan3A_15 = %scan3A_5 to %scan3A_7 step %scan3A_8  : i32 {
      %dma_start3A = arith.constant 0 : i32
      %dma_start3A_16 = tpu.memref_slice %arg7[%scan3A_15, %dma_start3A] : memref<80x128xi32, #tpu.memory_space<vmem>> -> memref<1x128xi32, #tpu.memory_space<vmem>>
      %dma_start3A_17 = tpu.memref_squeeze %dma_start3A_16 : memref<1x128xi32, #tpu.memory_space<vmem>> -> memref<128xi32, #tpu.memory_space<vmem>>
      %dma_start3A_18 = arith.constant 0 : i32
      %dma_start3A_19 = arith.constant 0 : i32
      %dma_start3A_20 = tpu.memref_slice %arg4[%dma_start3A_18, %dma_start3A_19] : memref<10000x128xf32, #tpu.memory_space<hbm>> -> memref<10000x128xf32, #tpu.memory_space<hbm>>
      tpu.enqueue_indirect_dma source(%dma_start3A_20 : memref<10000x128xf32, #tpu.memory_space<hbm>>) target(%arg9 : memref<128x128xf32, #tpu.memory_space<vmem>>) offsets(%dma_start3A_17 : memref<128xi32, #tpu.memory_space<vmem>>) semaphore(%arg11 : memref<!tpu.dma_semaphore, #tpu.memory_space<semaphore_mem>>)
      %dma_wait3A = arith.constant 0 : i32
      %dma_wait3A_21 = tpu.memref_slice %arg7[%scan3A_15, %dma_wait3A] : memref<80x128xi32, #tpu.memory_space<vmem>> -> memref<1x128xi32, #tpu.memory_space<vmem>>
      %dma_wait3A_22 = tpu.memref_squeeze %dma_wait3A_21 : memref<1x128xi32, #tpu.memory_space<vmem>> -> memref<128xi32, #tpu.memory_space<vmem>>
      %dma_wait3A_23 = arith.constant 0 : i32
      %dma_wait3A_24 = arith.constant 0 : i32
      %dma_wait3A_25 = tpu.memref_slice %arg4[%dma_wait3A_23, %dma_wait3A_24] : memref<10000x128xf32, #tpu.memory_space<hbm>> -> memref<10000x128xf32, #tpu.memory_space<hbm>>
      tpu.wait_indirect_dma semaphore(%arg11 : memref<!tpu.dma_semaphore, #tpu.memory_space<semaphore_mem>>) src(%dma_wait3A_25 : memref<10000x128xf32, #tpu.memory_space<hbm>>) dst(%arg9 : memref<128x128xf32, #tpu.memory_space<vmem>>)
      "tpu.region"() ({
        %run_scoped3A = tpu.sem_alloc : memref<!tpu.dma_semaphore, #tpu.memory_space<semaphore_mem>>
        %dma_start3A_26 = arith.constant 0 : i32
        %dma_start3A_27 = tpu.memref_slice %arg8[%scan3A_15, %dma_start3A_26] : memref<80x128xi32, #tpu.memory_space<vmem>> -> memref<1x128xi32, #tpu.memory_space<vmem>>
        %dma_start3A_28 = tpu.memref_squeeze %dma_start3A_27 : memref<1x128xi32, #tpu.memory_space<vmem>> -> memref<128xi32, #tpu.memory_space<vmem>>
        %dma_start3A_29 = arith.constant 0 : i32
        %dma_start3A_30 = arith.constant 0 : i32
        %dma_start3A_31 = tpu.memref_slice %arg10[%dma_start3A_29, %dma_start3A_30] : memref<10240x128xf32, #tpu.memory_space<vmem_shared>> -> memref<10240x128xf32, #tpu.memory_space<vmem_shared>>
        tpu.enqueue_indirect_dma source(%arg9 : memref<128x128xf32, #tpu.memory_space<vmem>>) target(%dma_start3A_31 : memref<10240x128xf32, #tpu.memory_space<vmem_shared>>) offsets(%dma_start3A_28 : memref<128xi32, #tpu.memory_space<vmem>>) semaphore(%run_scoped3A : memref<!tpu.dma_semaphore, #tpu.memory_space<semaphore_mem>>) {add = true}
        %dma_wait3A_32 = arith.constant 0 : i32
        %dma_wait3A_33 = tpu.memref_slice %arg8[%scan3A_15, %dma_wait3A_32] : memref<80x128xi32, #tpu.memory_space<vmem>> -> memref<1x128xi32, #tpu.memory_space<vmem>>
        %dma_wait3A_34 = tpu.memref_squeeze %dma_wait3A_33 : memref<1x128xi32, #tpu.memory_space<vmem>> -> memref<128xi32, #tpu.memory_space<vmem>>
        %dma_wait3A_35 = arith.constant 0 : i32
        %dma_wait3A_36 = arith.constant 0 : i32
        %dma_wait3A_37 = tpu.memref_slice %arg10[%dma_wait3A_35, %dma_wait3A_36] : memref<10240x128xf32, #tpu.memory_space<vmem_shared>> -> memref<10240x128xf32, #tpu.memory_space<vmem_shared>>
        tpu.wait_indirect_dma semaphore(%run_scoped3A : memref<!tpu.dma_semaphore, #tpu.memory_space<semaphore_mem>>) src(%arg9 : memref<128x128xf32, #tpu.memory_space<vmem>>) dst(%dma_wait3A_37 : memref<10240x128xf32, #tpu.memory_space<vmem_shared>>)
        tpu.yield
      }) : () -> ()
    }
    %scan3A_9 = arith.constant 80 : i32
    %barrier3A_10 = arith.constant 0 : index
    tpu.barrier barrier_id(%barrier3A_10)
    %mul3A_11 = arith.constant 640 : i32
    %mul3A_12 = arith.muli %arg1, %mul3A_11 : i32
    %mul3A_13 = arith.constant 640 : i32
    %mul3A_14 = arith.muli %arg1, %mul3A_13 : i32
    "tpu.region"() ({
      %run_scoped3A = tpu.sem_alloc : memref<!tpu.dma_semaphore, #tpu.memory_space<semaphore_mem>>
      %dma_start3A = arith.constant 0 : i32
      %dma_start3A_15 = arith.constant 0 : i32
      %dma_start3A_16 = tpu.memref_slice %arg6[%arg0, %dma_start3A, %dma_start3A_15] : memref<2x10240x128xf32, #tpu.memory_space<hbm>> -> memref<1x10240x128xf32, #tpu.memory_space<hbm>>
      %dma_start3A_17 = tpu.memref_squeeze %dma_start3A_16 : memref<1x10240x128xf32, #tpu.memory_space<hbm>> -> memref<10240x128xf32, #tpu.memory_space<hbm>>
      %dma_start3A_18 = arith.constant 0 : i32
      %dma_start3A_19 = tpu.memref_slice %dma_start3A_17[%mul3A_14, %dma_start3A_18] : memref<10240x128xf32, #tpu.memory_space<hbm>> -> memref<640x128xf32, #tpu.memory_space<hbm>>
      %dma_start3A_20 = arith.constant 0 : i32
      %dma_start3A_21 = tpu.memref_slice %arg10[%mul3A_12, %dma_start3A_20] : memref<10240x128xf32, #tpu.memory_space<vmem_shared>> -> memref<640x128xf32, #tpu.memory_space<vmem_shared>>
      tpu.enqueue_dma source(%dma_start3A_21 : memref<640x128xf32, #tpu.memory_space<vmem_shared>>) target(%dma_start3A_19 : memref<640x128xf32, #tpu.memory_space<hbm>>) target_semaphore(%run_scoped3A : memref<!tpu.dma_semaphore, #tpu.memory_space<semaphore_mem>>)
      %dma_wait3A = arith.constant 0 : i32
      %dma_wait3A_22 = arith.constant 0 : i32
      %dma_wait3A_23 = tpu.memref_slice %arg6[%arg0, %dma_wait3A, %dma_wait3A_22] : memref<2x10240x128xf32, #tpu.memory_space<hbm>> -> memref<1x10240x128xf32, #tpu.memory_space<hbm>>
      %dma_wait3A_24 = tpu.memref_squeeze %dma_wait3A_23 : memref<1x10240x128xf32, #tpu.memory_space<hbm>> -> memref<10240x128xf32, #tpu.memory_space<hbm>>
      %dma_wait3A_25 = arith.constant 0 : i32
      %dma_wait3A_26 = tpu.memref_slice %dma_wait3A_24[%mul3A_14, %dma_wait3A_25] : memref<10240x128xf32, #tpu.memory_space<hbm>> -> memref<640x128xf32, #tpu.memory_space<hbm>>
      %dma_wait3A_27 = arith.constant 0 : i32
      %dma_wait3A_28 = tpu.memref_slice %arg10[%mul3A_12, %dma_wait3A_27] : memref<10240x128xf32, #tpu.memory_space<vmem_shared>> -> memref<640x128xf32, #tpu.memory_space<vmem_shared>>
      tpu.wait_dma2 semaphore(%run_scoped3A : memref<!tpu.dma_semaphore, #tpu.memory_space<semaphore_mem>>) src(%dma_wait3A_28 : memref<640x128xf32, #tpu.memory_space<vmem_shared>>) dst(%dma_wait3A_26 : memref<640x128xf32, #tpu.memory_space<hbm>>)
      tpu.yield
    }) : () -> ()
    return
  }
}

module attributes {stable_mosaic.version = 14 : i64} {
  func.func @_tc_mlp_body(%arg0: i32, %arg1: memref<1xf32, #tpu.memory_space<smem>>, %arg2: memref<1000x128xf32, #tpu.memory_space<vmem>>, %arg3: memref<1000x128xf32, #tpu.memory_space<vmem>>, %arg4: memref<1000x128xf32, #tpu.memory_space<vmem>>, %arg5: memref<128x128xf32, #tpu.memory_space<vmem>>, %arg6: memref<1x128xf32, #tpu.memory_space<vmem>>, %arg7: memref<128x128xf32, #tpu.memory_space<vmem>>, %arg8: memref<1x128xf32, #tpu.memory_space<vmem>>, %arg9: memref<128x128xf32, #tpu.memory_space<vmem>>, %arg10: memref<1x128xf32, #tpu.memory_space<vmem>>, %arg11: memref<128x128xf32, #tpu.memory_space<vmem>>, %arg12: memref<1x128xf32, #tpu.memory_space<vmem>>, %arg13: memref<1000x128xf32, #tpu.memory_space<vmem>>) attributes {dimension_semantics = [#tpu.dimension_semantics<arbitrary>], iteration_bounds = array<i64: 10>, scalar_prefetch = 0 : i64, scratch_operands = 0 : i64, tpu.core_type = #tpu.core_type<tc>, window_params = [{transform_indices = @transform_0, window_bounds = array<i64: 1>}, {transform_indices = @transform_1, window_bounds = array<i64: 1000, 128>}, {transform_indices = @transform_2, window_bounds = array<i64: 1000, 128>}, {transform_indices = @transform_3, window_bounds = array<i64: 1000, 128>}, {pipeline_mode = #tpu.pipeline_mode<synchronous>, transform_indices = @transform_4, window_bounds = array<i64: 128, 128>}, {pipeline_mode = #tpu.pipeline_mode<synchronous>, transform_indices = @transform_5, window_bounds = array<i64: 1, 128>}, {pipeline_mode = #tpu.pipeline_mode<synchronous>, transform_indices = @transform_6, window_bounds = array<i64: 128, 128>}, {pipeline_mode = #tpu.pipeline_mode<synchronous>, transform_indices = @transform_7, window_bounds = array<i64: 1, 128>}, {pipeline_mode = #tpu.pipeline_mode<synchronous>, transform_indices = @transform_8, window_bounds = array<i64: 128, 128>}, {pipeline_mode = #tpu.pipeline_mode<synchronous>, transform_indices = @transform_9, window_bounds = array<i64: 1, 128>}, {pipeline_mode = #tpu.pipeline_mode<synchronous>, transform_indices = @transform_10, window_bounds = array<i64: 128, 128>}, {pipeline_mode = #tpu.pipeline_mode<synchronous>, transform_indices = @transform_11, window_bounds = array<i64: 1, 128>}, {transform_indices = @transform_12, window_bounds = array<i64: 1000, 128>}]} {
    %get3A = arith.constant 0 : index
    %get3A_0 = memref.load %arg1[%get3A] : memref<1xf32, #tpu.memory_space<smem>>
    %add3A = arith.constant 1.000000e+00 : f32
    %add3A_1 = arith.addf %add3A, %get3A_0 : f32
    %get3A_2 = arith.constant 0 : index
    %get3A_3 = arith.constant 0 : index
    %get3A_4 = vector.load %arg2[%get3A_2, %get3A_3] : memref<1000x128xf32, #tpu.memory_space<vmem>>, vector<1000x128xf32>
    %mul3A = vector.broadcast %add3A_1 : f32 to vector<1000x128xf32>
    %mul3A_5 = arith.mulf %mul3A, %get3A_4 : vector<1000x128xf32>
    %get3A_6 = arith.constant 0 : index
    %get3A_7 = arith.constant 0 : index
    %get3A_8 = vector.load %arg3[%get3A_6, %get3A_7] : memref<1000x128xf32, #tpu.memory_space<vmem>>, vector<1000x128xf32>
    %add3A_9 = arith.addf %mul3A_5, %get3A_8 : vector<1000x128xf32>
    %get3A_10 = arith.constant 0 : index
    %get3A_11 = arith.constant 0 : index
    %get3A_12 = vector.load %arg4[%get3A_10, %get3A_11] : memref<1000x128xf32, #tpu.memory_space<vmem>>, vector<1000x128xf32>
    %add3A_13 = arith.addf %add3A_9, %get3A_12 : vector<1000x128xf32>
    %get3A_14 = arith.constant 0 : index
    %get3A_15 = arith.constant 0 : index
    %get3A_16 = vector.load %arg5[%get3A_14, %get3A_15] : memref<128x128xf32, #tpu.memory_space<vmem>>, vector<128x128xf32>
    %dot_general3A = arith.constant dense<0.000000e+00> : vector<1000x128xf32>
    %dot_general3A_17 = tpu.matmul %add3A_13, %get3A_16, %dot_general3A {dimension_numbers = #tpu.dot_dimension_numbers<[1], [0], [0], [1], [0, 0, 1, 1], [], []>, transpose_lhs_hint = false} : vector<1000x128xf32>, vector<128x128xf32>, vector<1000x128xf32> -> vector<1000x128xf32>
    %get3A_18 = arith.constant 0 : index
    %get3A_19 = arith.constant 0 : index
    %get3A_20 = vector.load %arg6[%get3A_18, %get3A_19] : memref<1x128xf32, #tpu.memory_space<vmem>>, vector<1x128xf32>
    %add3A_21 = vector.broadcast %get3A_20 : vector<1x128xf32> to vector<1000x128xf32>
    %add3A_22 = arith.addf %dot_general3A_17, %add3A_21 : vector<1000x128xf32>
    %max3A = arith.constant 0.000000e+00 : f32
    %max3A_23 = vector.broadcast %max3A : f32 to vector<1000x128xf32>
    %max3A_24 = arith.maximumf %add3A_22, %max3A_23 : vector<1000x128xf32>
    %get3A_25 = arith.constant 0 : index
    %get3A_26 = arith.constant 0 : index
    %get3A_27 = vector.load %arg7[%get3A_25, %get3A_26] : memref<128x128xf32, #tpu.memory_space<vmem>>, vector<128x128xf32>
    %dot_general3A_28 = arith.constant dense<0.000000e+00> : vector<1000x128xf32>
    %dot_general3A_29 = tpu.matmul %max3A_24, %get3A_27, %dot_general3A_28 {dimension_numbers = #tpu.dot_dimension_numbers<[1], [0], [0], [1], [0, 0, 1, 1], [], []>, transpose_lhs_hint = false} : vector<1000x128xf32>, vector<128x128xf32>, vector<1000x128xf32> -> vector<1000x128xf32>
    %get3A_30 = arith.constant 0 : index
    %get3A_31 = arith.constant 0 : index
    %get3A_32 = vector.load %arg8[%get3A_30, %get3A_31] : memref<1x128xf32, #tpu.memory_space<vmem>>, vector<1x128xf32>
    %add3A_33 = vector.broadcast %get3A_32 : vector<1x128xf32> to vector<1000x128xf32>
    %add3A_34 = arith.addf %dot_general3A_29, %add3A_33 : vector<1000x128xf32>
    %get3A_35 = arith.constant 0 : index
    %get3A_36 = arith.constant 0 : index
    %get3A_37 = vector.load %arg9[%get3A_35, %get3A_36] : memref<128x128xf32, #tpu.memory_space<vmem>>, vector<128x128xf32>
    %dot_general3A_38 = arith.constant dense<0.000000e+00> : vector<1000x128xf32>
    %dot_general3A_39 = tpu.matmul %add3A_34, %get3A_37, %dot_general3A_38 {dimension_numbers = #tpu.dot_dimension_numbers<[1], [0], [0], [1], [0, 0, 1, 1], [], []>, transpose_lhs_hint = false} : vector<1000x128xf32>, vector<128x128xf32>, vector<1000x128xf32> -> vector<1000x128xf32>
    %get3A_40 = arith.constant 0 : index
    %get3A_41 = arith.constant 0 : index
    %get3A_42 = vector.load %arg10[%get3A_40, %get3A_41] : memref<1x128xf32, #tpu.memory_space<vmem>>, vector<1x128xf32>
    %add3A_43 = vector.broadcast %get3A_42 : vector<1x128xf32> to vector<1000x128xf32>
    %add3A_44 = arith.addf %dot_general3A_39, %add3A_43 : vector<1000x128xf32>
    %max3A_45 = arith.constant 0.000000e+00 : f32
    %max3A_46 = vector.broadcast %max3A_45 : f32 to vector<1000x128xf32>
    %max3A_47 = arith.maximumf %add3A_44, %max3A_46 : vector<1000x128xf32>
    %get3A_48 = arith.constant 0 : index
    %get3A_49 = arith.constant 0 : index
    %get3A_50 = vector.load %arg11[%get3A_48, %get3A_49] : memref<128x128xf32, #tpu.memory_space<vmem>>, vector<128x128xf32>
    %dot_general3A_51 = arith.constant dense<0.000000e+00> : vector<1000x128xf32>
    %dot_general3A_52 = tpu.matmul %max3A_47, %get3A_50, %dot_general3A_51 {dimension_numbers = #tpu.dot_dimension_numbers<[1], [0], [0], [1], [0, 0, 1, 1], [], []>, transpose_lhs_hint = false} : vector<1000x128xf32>, vector<128x128xf32>, vector<1000x128xf32> -> vector<1000x128xf32>
    %get3A_53 = arith.constant 0 : index
    %get3A_54 = arith.constant 0 : index
    %get3A_55 = vector.load %arg12[%get3A_53, %get3A_54] : memref<1x128xf32, #tpu.memory_space<vmem>>, vector<1x128xf32>
    %add3A_56 = vector.broadcast %get3A_55 : vector<1x128xf32> to vector<1000x128xf32>
    %add3A_57 = arith.addf %dot_general3A_52, %add3A_56 : vector<1000x128xf32>
    %logistic3A = arith.negf %add3A_57 : vector<1000x128xf32>
    %logistic3A_58 = math.exp %logistic3A : vector<1000x128xf32>
    %logistic3A_59 = arith.constant 1.000000e+00 : f32
    %logistic3A_60 = vector.broadcast %logistic3A_59 : f32 to vector<1000x128xf32>
    %logistic3A_61 = arith.addf %logistic3A_60, %logistic3A_58 : vector<1000x128xf32>
    %logistic3A_62 = arith.divf %logistic3A_60, %logistic3A_61 : vector<1000x128xf32>
    %swap3A = arith.constant 0 : index
    %swap3A_63 = arith.constant 0 : index
    %swap3A_64 = vector.load %arg13[%swap3A, %swap3A_63] : memref<1000x128xf32, #tpu.memory_space<vmem>>, vector<1000x128xf32>
    tpu.vector_store %arg13[%swap3A, %swap3A_63], %logistic3A_62 {strides = array<i32>} : memref<1000x128xf32, #tpu.memory_space<vmem>>, vector<1000x128xf32>,
    return
  }
  func.func @transform_0(%arg0: i32) -> i32 {
    %c0_i32 = arith.constant 0 : i32
    %c0_i32_0 = arith.constant 0 : i32
    return %c0_i32 : i32
  }
  func.func @transform_1(%arg0: i32) -> (i32, i32) {
    %c0_i32 = arith.constant 0 : i32
    %c0_i32_0 = arith.constant 0 : i32
    return %arg0, %c0_i32 : i32, i32
  }
  func.func @transform_2(%arg0: i32) -> (i32, i32) {
    %c0_i32 = arith.constant 0 : i32
    %c0_i32_0 = arith.constant 0 : i32
    return %arg0, %c0_i32 : i32, i32
  }
  func.func @transform_3(%arg0: i32) -> (i32, i32) {
    %c0_i32 = arith.constant 0 : i32
    %c0_i32_0 = arith.constant 0 : i32
    return %arg0, %c0_i32 : i32, i32
  }
  func.func @transform_4(%arg0: i32) -> (i32, i32) {
    %c0_i32 = arith.constant 0 : i32
    %c0_i32_0 = arith.constant 0 : i32
    %c0_i32_1 = arith.constant 0 : i32
    return %c0_i32, %c0_i32_0 : i32, i32
  }
  func.func @transform_5(%arg0: i32) -> (i32, i32) {
    %c0_i32 = arith.constant 0 : i32
    %c0_i32_0 = arith.constant 0 : i32
    %c0_i32_1 = arith.constant 0 : i32
    return %c0_i32, %c0_i32_0 : i32, i32
  }
  func.func @transform_6(%arg0: i32) -> (i32, i32) {
    %c0_i32 = arith.constant 0 : i32
    %c0_i32_0 = arith.constant 0 : i32
    %c0_i32_1 = arith.constant 0 : i32
    return %c0_i32, %c0_i32_0 : i32, i32
  }
  func.func @transform_7(%arg0: i32) -> (i32, i32) {
    %c0_i32 = arith.constant 0 : i32
    %c0_i32_0 = arith.constant 0 : i32
    %c0_i32_1 = arith.constant 0 : i32
    return %c0_i32, %c0_i32_0 : i32, i32
  }
  func.func @transform_8(%arg0: i32) -> (i32, i32) {
    %c0_i32 = arith.constant 0 : i32
    %c0_i32_0 = arith.constant 0 : i32
    %c0_i32_1 = arith.constant 0 : i32
    return %c0_i32, %c0_i32_0 : i32, i32
  }
  func.func @transform_9(%arg0: i32) -> (i32, i32) {
    %c0_i32 = arith.constant 0 : i32
    %c0_i32_0 = arith.constant 0 : i32
    %c0_i32_1 = arith.constant 0 : i32
    return %c0_i32, %c0_i32_0 : i32, i32
  }
  func.func @transform_10(%arg0: i32) -> (i32, i32) {
    %c0_i32 = arith.constant 0 : i32
    %c0_i32_0 = arith.constant 0 : i32
    %c0_i32_1 = arith.constant 0 : i32
    return %c0_i32, %c0_i32_0 : i32, i32
  }
  func.func @transform_11(%arg0: i32) -> (i32, i32) {
    %c0_i32 = arith.constant 0 : i32
    %c0_i32_0 = arith.constant 0 : i32
    %c0_i32_1 = arith.constant 0 : i32
    return %c0_i32, %c0_i32_0 : i32, i32
  }
  func.func @transform_12(%arg0: i32) -> (i32, i32) {
    %c0_i32 = arith.constant 0 : i32
    %c0_i32_0 = arith.constant 0 : i32
    return %arg0, %c0_i32 : i32, i32
  }
}

</mosaic_0001>

<sc_bundles>
// kernel: kernel.4.cloned.1.call-start
scs
__scs_entry_jumppad:
0x0: {  	(pc) =	sbr.rel $0x88, $3  }
0x1: {  	(tag) =	ssettag $0x0;
	lr =	simm.s32 $0x1  }
0x2: {  	[smem:$0x3F96] =	sst lr;
	_ =	strace $0xD0000000  }
0x3: {  	_ = 	snop  }
0x4: {  	_ = 	snop  }
0x5: {  	_ = 	snop  }
0x6: {  	_ = 	snop  }
0x7: {  	_ = 	snop  }
__scs_overlays_trampoline_lowered:
0x8: {  	[smem:$0x3FA5] =	sst s0  }
0x9: {  	[smem:$0x3FA6] =	sst s1  }
0xa: {  	[smem:$0x3FA7] =	sst s2  }
0xb: {  	[smem:$0x3FA8] =	sst s3  }
0xc: {  	[smem:$0x3FA9] =	sst s4  }
0xd: {  	[smem:$0x3FAA] =	sst s5  }
0xe: {  	[smem:$0x3FAB] =	sst s6  }
0xf: {  	[smem:$0x3FAC] =	sst s7  }
0x10: {  	[smem:$0x3FAD] =	sst s8  }
0x11: {  	[smem:$0x3FAE] =	sst s9;
	s0 =	simm.s32 @!p0 $0x0  }
0x12: {  	s1 =	sld [smem:$0x3F94];
	s0 =	simm.s32 @p0 $0x1  }
0x13: {  	[smem:$0x3FAF] =	sst s0;
	s0 =	simm.s32 @!p1 $0x0  }
0x14: {  	s2 =	sld [smem:$0x3F93];
	s0 =	simm.s32 @p1 $0x1  }
0x15: {  	[smem:$0x3FB0] =	sst s0;
	s0 =	simm.s32 @!p2 $0x0  }
0x16: {  	s3 =	sld [smem:$0x3FDB];
	s0 =	simm.s32 @p2 $0x1  }
0x17: {  	s4 =	simm.s32 $0x1BF5;
	[smem:$0x3FB2] =	sst s0  }
0x18: {  	s0 =	sld [smem:$0x3F95];
	_ =	swait.ge [sflag:s4], $0x0  }
0x19: {  	s7 =	sld [smem:$0x3F96]  }
0x1a: {  	s8 =	sadd.s32 $0xFFFFE003, lr  }
0x1b: {  	s9 =	sadd.s32 $0xFFFFFEF7, lr;
	s5 =	simm.s32 $0xFFFFFFFF;
	p2 =	slt.u32 s8, $0xFFFFF086  }
0x1c: {  	p1 =	slt.u32 s9, $0xF7A;
	s5 =	simm.s32 @!p2 $0x0  }
0x1d: {  	s5 =	simm.s32 @p1 $0x1;
	p0 =	seq.s32 s7, s2  }
0x1e: {  	s7 =	smul.u32 @!p0 $0xF7A, s2;
	p2 =	seq.s32 @!p0 s5, $0x0  }
0x1f: {  	s9 =	smul.u32 $0xF7A, s1;
	s8 =	simm.s32 @!p0 $0x1BF5;
	p2 =	por !p2, p0  }
0x20: {  	[sflag:s8] =	ssyncset.s32 @!p0 $0xFFFFF086;
	s6 =	sadd.s32 @!p0 s3, s7;
	s7 =	simm.s32 @!p0 $0x108  }
0x21: {  	s3 =	sadd.s32 s3, s9;
	s6 =	sadd.s32 @!p0 $0x88, s6;
	s7 =	simm.s32 @p2 $0x1082  }
0x22: {  	[simem:s7], [sflag:s8] =	dma.local @!p0 [hbm:s6], $0xF7A  }
0x23: {  	s9 =	sor.u32 $0xD0000000, s2;
	s6 =	simm.s32 $0x108;
	_ =	swait.ge @!p0 [sflag:s8], $0x0  }
0x24: {  	s3 =	sadd.s32 $0x88, s3;
	s6 =	simm.s32 @!p1 $0x1082;
	[sflag:s4] =	ssyncset.s32 $0xFFFFF086  }
0x25: {  	[simem:s6], [sflag:s4] =	dma.local [hbm:s3], $0xF7A  }
0x26: {  	[smem:$0x3F96] =	sst s1;
	(tag) =	ssettag s2;
	_ =	strace s9  }
0x27: {  	s1 =	sld [smem:$0x3FA6]  }
0x28: {  	s2 =	sld [smem:$0x3FA7]  }
0x29: {  	s4 =	sld [smem:$0x3FA9]  }
0x2a: {  	p0 =	seq.s32 s5, $0x0;
	s5 =	sld [smem:$0x3FAA]  }
0x2b: {  	s6 =	sld [smem:$0x3FAB]  }
0x2c: {  	s7 =	sld [smem:$0x3FAC]  }
0x2d: {  	s3 =	simm.s32 $0x108;
	s8 =	sld [smem:$0x3FAD]  }
0x2e: {  	s3 =	simm.s32 @!p0 $0x1082;
	s9 =	sld [smem:$0x3FAE]  }
0x2f: {  	lr =	sadd.s32 s0, s3;
	s0 =	sld [smem:$0x3FA5]  }
0x30: {  	s3 =	sld [smem:$0x3FA8]  }
0x31: {  	[smem:$0x3FB1] =	sst s10  }
0x32: {  	s10 =	sld [smem:$0x3FAF];
	_ =	sdelay $0x3  }
0x33: {  	p0 =	seq.s32 s10, $0x1;
	s10 =	sld [smem:$0x3FB1];
	_ =	sdelay $0x3  }
0x34: {  	[smem:$0x3FB1] =	sst s10  }
0x35: {  	s10 =	sld [smem:$0x3FB0];
	_ =	sdelay $0x3  }
0x36: {  	p1 =	seq.s32 s10, $0x1;
	s10 =	sld [smem:$0x3FB1];
	_ =	sdelay $0x3  }
0x37: {  	[smem:$0x3FB1] =	sst s10  }
0x38: {  	s10 =	sld [smem:$0x3FB2]  }
0x39: {  	_ = 	snop;
	(pc) =	sbr.ind lr, $3  }
0x3a: {  	_ = 	snop  }
0x3b: {  	_ = 	snop  }
0x3c: {  	p2 =	seq.s32 s10, $0x1;
	s10 =	sld [smem:$0x3FB1]  }
0x3d: {  	_ =	shalt  }
0x3e: {  	_ =	shalt  }
0x3f: {  	_ =	shalt  }
0x40: {  	_ =	shalt  }
0x41: {  	_ =	shalt  }
0x42: {  	_ =	shalt  }
0x43: {  	_ =	shalt  }
0x44: {  	_ =	shalt  }
0x45: {  	_ =	shalt  }
0x46: {  	_ =	shalt  }
0x47: {  	_ =	shalt  }
0x48: {  	_ =	shalt  }
0x49: {  	_ =	shalt  }
0x4a: {  	_ =	shalt  }
0x4b: {  	_ =	shalt  }
0x4c: {  	_ =	shalt  }
0x4d: {  	_ =	shalt  }
0x4e: {  	_ =	shalt  }
0x4f: {  	_ =	shalt  }
0x50: {  	_ =	shalt  }
0x51: {  	_ =	shalt  }
0x52: {  	_ =	shalt  }
0x53: {  	_ =	shalt  }
0x54: {  	_ =	shalt  }
0x55: {  	_ =	shalt  }
0x56: {  	_ =	shalt  }
0x57: {  	_ =	shalt  }
0x58: {  	_ =	shalt  }
0x59: {  	_ =	shalt  }
0x5a: {  	_ =	shalt  }
0x5b: {  	_ =	shalt  }
0x5c: {  	_ =	shalt  }
0x5d: {  	_ =	shalt  }
0x5e: {  	_ =	shalt  }
0x5f: {  	_ =	shalt  }
0x60: {  	_ =	shalt  }
0x61: {  	_ =	shalt  }
0x62: {  	_ =	shalt  }
0x63: {  	_ =	shalt  }
0x64: {  	_ =	shalt  }
0x65: {  	_ =	shalt  }
0x66: {  	_ =	shalt  }
0x67: {  	_ =	shalt  }
0x68: {  	_ =	shalt  }
0x69: {  	_ =	shalt  }
0x6a: {  	_ =	shalt  }
0x6b: {  	_ =	shalt  }
0x6c: {  	_ =	shalt  }
0x6d: {  	_ =	shalt  }
0x6e: {  	_ =	shalt  }
0x6f: {  	_ =	shalt  }
0x70: {  	_ =	shalt  }
0x71: {  	_ =	shalt  }
0x72: {  	_ =	shalt  }
0x73: {  	_ =	shalt  }
0x74: {  	_ =	shalt  }
0x75: {  	_ =	shalt  }
0x76: {  	_ =	shalt  }
0x77: {  	_ =	shalt  }
0x78: {  	_ =	shalt  }
0x79: {  	_ =	shalt  }
0x7a: {  	_ =	shalt  }
0x7b: {  	_ =	shalt  }
0x7c: {  	_ =	shalt  }
0x7d: {  	_ =	shalt  }
0x7e: {  	_ =	shalt  }
0x7f: {  	_ =	shalt  }
0x80: {  	_ =	shalt  }
0x81: {  	_ =	shalt  }
0x82: {  	_ =	shalt  }
0x83: {  	_ =	shalt  }
0x84: {  	_ =	shalt  }
0x85: {  	_ =	shalt  }
0x86: {  	_ =	shalt  }
0x87: {  	_ =	shalt  }
.Lfunc_end0:
.L_simem_size_0:
called_computation_lowered:
.L_overlay_start_0:
0x88: {  	s2 =	sld [smem:$0x3FD9]  }
0x89: {  	s3 =	sld [smem:$0x3FFE];
	_ =	sdelay $0x1  }
0x8a: {  	s1 =	srdreg.scid  }
0x8b: {  	s0 =	sand.u32 $0x1, s1  }
0x8c: {  	s17 =	sshll.u32 s0, $0xA;
	s2 =	sadd.s32 s3, s2  }
0x8d: {  	s2 =	sadd.s32 s2, s17  }
0x8e: {  	[smem:$0x3FBD] =	sst s2  }
0x8f: {  	_ = 	snop  }
0x90: {  	s2 =	sld [smem:$0x3FC9]  }
0x91: {  	s18 =	sld [smem:$0x3FD0];
	(tm) =	ssettm $0x1  }
0x92: {  	s4 =	sld [smem:$0x3FFB];
	_ =	sdelay $0x3  }
0x93: {  	_ =	strace s4  }
0x94: {  	s4 =	sld [smem:$0x3FFC];
	_ =	sdelay $0x3  }
0x95: {  	_ =	strace s4  }
0x96: {  	s4 =	sld [smem:$0x3FFD];
	_ =	sdelay $0x3  }
0x97: {  	_ =	strace s4  }
0x98: {  	_ =	strace $0x8FFFFFFF  }
0x99: {  	s19 =	sld [smem:$0x3FDB];
	_ =	sdelay $0x1  }
0x9a: {  	s5 =	simm.s32 $_scs_section_size  }
0x9b: {  	s6 =	simm.s32 $_size__tile_overlayer_lowered;
	s7 =	simm.s32 $_tile_overlayer_lowered  }
0x9c: {  	s22 =	simm.s32 $0x1BFF;
	s21 =	sshll.u32 s7, $0x1;
	s4 =	sadd.s32 s5, s19  }
0x9d: {  	s8 =	simm.s32 $0x0;
	s20 =	sshll.u32 s6, $0x1;
	s6 =	sadd.s32 s21, s4  }
0x9e: {  	[timem:s8], [sflag:s22] =	dma.local [hbm:s6], s20  }
0x9f: {  	_ =	swait.ge [sflag:s22], s20  }
0xa0: {  	s5 =	ssub.s32 $0x0, s20;
	[sflag:s22] =	ssyncset.done $0x0  }
0xa1: {  	[sflag:s22] =	ssyncadd.s32 s5;
	_ =	sdelay $0x1  }
0xa2: {  	s23 =	simm.s32 $0x1B8B  }
0xa3: {  	_ =	swait.ge [sflag:s23], $0x1  }
0xa4: {  	[sflag:s23] =	ssyncset.done $0x0  }
0xa5: {  	s25 =	simm.s32 $0x1B8E;
	s24 =	sld [smem:$0x3FFE];
	[sflag:s23] =	ssyncadd.s32 $0xFFFFFFFF  }
0xa6: {  	s26 =	simm.s32 $execute0_lowered;
	[smem:$0x3FD2] =	sst s25  }
0xa7: {  	s6 =	sshll.u32 s26, $0x1;
	_ =	strace $0x80000046;
	[dreg:$0x1] =	wrdreg $0xFFFFFFFF  }
0xa8: {  	s28 =	simm.s32 $_size_execute0_lowered;
	s4 =	sadd.s32 s4, s6;
	[dreg:$0x0] =	wrdreg $0x0  }
0xa9: {  	s6 =	sshll.u32 s28, $0x1;
	[dreg:$0x2] =	wrdreg s4  }
0xaa: {  	[dreg:$0x3] =	wrdreg s6  }
0xab: {  	[dreg:$0x4] =	wrdreg $0xC0  }
0xac: {  	_ =	task [dreg:s8], $0x5FFFF  }
0xad: {  	[dreg:$0x1] =	wrdreg $0xFFFFFFFF  }
0xae: {  	[dreg:$0x0] =	wrdreg $0x60  }
0xaf: {  	[dreg:$0x2] =	wrdreg s18  }
0xb0: {  	[dreg:$0x3] =	wrdreg s24  }
0xb1: {  	[dreg:$0x4] =	wrdreg s2  }
0xb2: {  	[dreg:$0x5] =	wrdreg $0x90000  }
0xb3: {  	[dreg:$0x6] =	wrdreg $0x9  }
0xb4: {  	_ =	task.clear_ibuf [dreg:s8], $0x7FFFF;
	_ =	strace $0x90000046  }
0xb5: {  	s29 =	simm.s32 $0x9;
	_ =	strace $0x80000048  }
0xb6: {  	_ =	swait.ge [sflag:s29], $0x1  }
0xb7: {  	[sflag:s29] =	ssyncadd.s32 $0xFFFFFFFF  }
0xb8: {  	_ =	strace $0x90000048  }
0xb9: {  	_ =	sfence  }
0xba: {  	s30 =	sld [smem:$0x0];
	_ =	sdelay $0x2  }
0xbb: {  	s31 =	sshll.u32 s1, $0xD;
	s1 =	sshrl.u32 s1, $0x2  }
0xbc: {  	s3 =	sand.u32 $0x4000, s31;
	s1 =	sadd.s32 s1, s30  }
0xbd: {  	s0 =	sor.u32 s3, s0;
	s1 =	sshll.u32 s1, $0x11  }
0xbe: {  	s0 =	sor.u32 s1, s0  }
0xbf: {  	s0 =	sadd.s32 $0x8F2B, s0  }
0xc0: {  	[sflag:s0] =	ssyncadd.remote.s32 $0x1  }
0xc1: {  	_ =	sfence.sel $0xFFFF  }
0xc2: {  	[dreg:$0x0] =	wrdreg $0xFFFFFFFF;
	(pc) =	sbr.abs _section_cstart, $3  }
0xc3: {  	[dreg:$0x1] =	wrdreg $0xFFFFFFFF  }
0xc4: {  	_ =	task.clear_ibuf [dreg:s8], $0x2FFFF;
	_ =	strace $0x9FFFFFFF  }
0xc5: {  	(tm) =	ssettm $0x7FFFFFFF  }
tec
execute0_lowered:
.L_overlay_start_1:
0x0: {  	(tag) =	ssettag $0x1  }
0x1: {  	s5 =	rddreg [dreg:$0x0]  }
0x2: {  	s6 =	rddreg [dreg:$0x1]  }
0x3: {  	s0 =	srdreg.scid;
	s2 =	rddreg [dreg:$0x2]  }
0x4: {  	s3 =	rddreg [dreg:$0x3];
	s7 =	sand.u32 $0x1, s0;
	s0 =	stileid.u32  }
0x5: {  	s4 =	simm.s32 $0x0;
	s15 =	simm.s32 $0x1;
	s16 =	smul.u32 $0x2800, s0  }
0x6: {  	[smem:$0x7FF] =	sst s4;
	s1 =	sshll.u32 s7, $0x4;
	s9 =	smul.u32 $0x28000, s7  }
0x7: {  	s7 =	ssub.s32 $0x2, s7;
	s11 =	smul.u32 $0x50000, s0;
	s31 =	sshll.u32 s0, $0x6  }
0x8: {  	s8 =	sor.u32 s0, s1;
	s1 =	rddreg [dreg:$0x4];
	_ =	strace $0x80000047  }
0x9: {  	s29 =	sshrl.u32 s7, $0x1;
	s8 =	smul.u32 $0x500, s8;
	s12 =	sadd.s32 s16, s6  }
0xa: {  	s9 =	sadd.s32 s9, s6;
	s13 =	ssub.s32 s7, s29;
	s30 =	sshrl.u32 s11, $0x2  }
0xb: {  	s11 =	sor.u32 $0x1C02, s31;
	s14 =	sadd.s32 s30, s3;
	s7 =	sadd.s32 $0xB600, s12  }
0xc: {  	s17 =	sadd.s32 $0x33600, s9;
	s9 =	simm.s32 $0x2;
	s10 =	sadd.s32 s8, s6  }
0xd: {  	s5 =	sadd.s32 s5, s8;
	s8 =	smax.u32 s13, $0x1;
	s12 =	sshrl.u32 s14, $0x3  }
0xe: {  	s13 =	simm.s32 $0x80;
	s14 =	simm.s32 $0x5000;
	s16 =	sadd.s32 s16, s17  }
0xf: {  	s17 =	simm.s32 $0x0;
	s6 =	sadd.s32 $0x1600, s10;
	s10 =	simm.s32 $0x2800  }
.LBB2_1:
0x10: {  	[tilespmem:s4], [sflag:$0x2] =	stream.linear.gather [hbm4b:s5+s4], $0x2800, $0x38;
	[tilespmem:$0x1D000] =	vst v63  }
0x11: {  	_ =	swait.ge [sflag:s9], $0x2800  }
0x12: {  	[sflag:s9] =	ssyncset.done $0x0  }
0x13: {  	[sflag:s9] =	ssyncadd.s32 $0xFFFFD800  }
0x14: {  	[tilespmem:s10], [sflag:$0x2] =	stream.linear.gather [hbm4b:s6+s4], $0x2800, $0x38;
	[tilespmem:$0x1D000] =	vst v63  }
0x15: {  	_ =	swait.ge [sflag:s9], $0x2800  }
0x16: {  	[sflag:s9] =	ssyncset.done $0x0  }
0x17: {  	[sflag:s9] =	ssyncadd.s32 $0xFFFFD800  }
0x18: {  	[spmem:s12], [sflag:s11] =	dma.local [hbm:s7], $0x2800  }
0x19: {  	_ =	swait.ge [sflag:s9], $0x2800  }
0x1a: {  	[sflag:s9] =	ssyncset.done $0x0  }
0x1b: {  	[sflag:s9] =	ssyncadd.s32 $0xFFFFD800  }
0x1c: {  	s18 =	simm.s32 $0x0;
	[bflag:$0x0] =	sbarrier.arrive $0xFFFF  }
0x1d: {  	[tilespmem:s14], [sflag:$0x1] =	stream.indirect.gather [hbm4b:s2+s13], $0x80, s18, s13, $0xb8;
	[tilespmem:$0x1D000] =	vst v63  }
0x1e: {  	_ =	swait.ge [sflag:s15], $0x4000  }
0x1f: {  	[sflag:s15] =	ssyncset.done $0x0  }
0x20: {  	s31 =	simm.s32 $0x2800;
	[sflag:s15] =	ssyncadd.s32 $0xFFFFC000  }
0x21: {  	[spmem:s3] =	stream.indirect.scatter.add.f32 [tilespmem:s14], [sflag:$0x2], $0x80, s31, s13, $0xb8;
	[tilespmem:$0x1D000] =	vst v63  }
0x22: {  	_ =	swait.ge [sflag:s9], $0x4000  }
0x23: {  	s19 =	simm.s32 $0x400;
	s18 =	simm.s32 $0x200;
	[sflag:s9] =	ssyncset.done $0x0  }
.LBB2_2:
0x24: {  	s20 =	sshra.s32 s18, $0x2  }
0x25: {  	[sflag:s9] =	ssyncadd.s32 $0xFFFFC000;
	s18 =	smov.u32 s19;
	s21 =	sadd.s32 $0x200, s19  }
0x26: {  	[tilespmem:s14], [sflag:$0x1] =	stream.indirect.gather [hbm4b:s2+s13], $0x80, s20, s13, $0xb8;
	[tilespmem:$0x1D000] =	vst v63  }
0x27: {  	p0 =	sne.s32 s19, $0x9E00;
	_ =	swait.ge [sflag:s15], $0x4000  }
.Ltmp0:
0x28: {  	[sflag:s15] =	ssyncset.done $0x0;
	(pc) =	sbr.rel @p0 .LBB2_2-.Ltmp0, $4  }
0x29: {  	s19 =	sadd.s32 $0x2800, s20;
	[sflag:s15] =	ssyncadd.s32 $0xFFFFC000  }
0x2a: {  	[spmem:s3] =	stream.indirect.scatter.add.f32 [tilespmem:s14], [sflag:$0x2], $0x80, s19, s13, $0xb8;
	[tilespmem:$0x1D000] =	vst v63  }
0x2b: {  	_ =	swait.ge [sflag:s9], $0x4000  }
0x2c: {  	s19 =	smov.u32 s21;
	[sflag:s9] =	ssyncset.done $0x0  }
0x2d: {  	s18 =	sshra.s32 s18, $0x2;
	[sflag:s9] =	ssyncadd.s32 $0xFFFFC000  }
0x2e: {  	[tilespmem:s14], [sflag:$0x1] =	stream.indirect.gather [hbm4b:s2+s13], $0x80, s18, s13, $0xb8;
	[tilespmem:$0x1D000] =	vst v63  }
0x2f: {  	_ =	swait.ge [sflag:s15], $0x4000  }
0x30: {  	[sflag:s15] =	ssyncset.done $0x0  }
0x31: {  	s18 =	sadd.s32 $0x2800, s18;
	[sflag:s15] =	ssyncadd.s32 $0xFFFFC000  }
0x32: {  	[spmem:s3] =	stream.indirect.scatter.add.f32 [tilespmem:s14], [sflag:$0x2], $0x80, s18, s13, $0xb8;
	[tilespmem:$0x1D000] =	vst v63  }
0x33: {  	_ =	swait.ge [sflag:s9], $0x4000  }
0x34: {  	s17 =	sadd.s32 $0x1, s17;
	[sflag:s9] =	ssyncset.done $0x0  }
0x35: {  	p0 =	sne.s32 s17, s8;
	[sflag:s9] =	ssyncadd.s32 $0xFFFFC000  }
.Ltmp1:
0x36: {  	[bflag:$0x0] =	sbarrier.arrive $0xFFFF;
	(pc) =	sbr.rel @p0 .LBB2_1-.Ltmp1, $4  }
0x37: {  	[hbm:s16], [sflag:s11] =	dma.local [spmem:s12], $0x2800  }
0x38: {  	_ =	swait.ge [sflag:s9], $0x2800  }
0x39: {  	[sflag:s9] =	ssyncset.done $0x0  }
0x3a: {  	[sflag:s9] =	ssyncadd.s32 $0xFFFFD800  }
0x3b: {  	_ =	sfence.sel $0x180000  }
0x3c: {  	[bflag:$0x0] =	sbarrier.arrive $0xFFFF  }
0x3d: {  	p0 =	sne.s32 s0, $0x0;
	_ =	strace $0x90000047  }
0x3e: {  	s0 =	sadd.s32 @!p0 $0x100000, s1;
	[bflag:$0x2] =	sbarrier.arrive $0xFFFF  }
0x3f: {  	[sflag:s0] =	ssyncadd.tile.s32 @!p0 $0x1;
	_ =	shalt  }
.Lfunc_end2:
_tile_overlayer_lowered:
.L_overlay_start_2:
0x40: {  	(tag) =	ssettag $0x2  }
0x41: {  	s0 =	rddreg [dreg:$0x0];
	s2 =	stileid.u32  }
0x42: {  	s1 =	rddreg [dreg:$0x1];
	p0 =	sne.s32 s2, $0x0  }
0x43: {  	s3 =	rddreg [dreg:$0x2];
	[bflag:$0x3] =	sbarrier.arrive $0xFFFF;
	s2 =	simm.s32 @!p0 $0x1C02  }
0x44: {  	[timem:s3], [sflag:s2] =	dma.local @!p0 [hbm:s0], s1  }
0x45: {  	s0 =	simm.s32 @!p0 $0x2  }
0x46: {  	_ =	swait.ge @!p0 [sflag:s0], s1  }
0x47: {  	s1 =	ssub.s32 @!p0 $0x0, s1;
	[sflag:s0] =	ssyncset.done @!p0 $0x0  }
0x48: {  	[sflag:s0] =	ssyncadd.s32 @!p0 s1  }
0x49: {  	[bflag:$0x3] =	sbarrier.arrive $0xFFFF  }
0x4a: {  	_ =	shalt  }

</sc_bundles>
